<compile_context>
chip_gen: v7x
topology: tpu7x:2x2x1
jax: 0.10.2.dev20260603
libtpu: 0.0.44.dev20260713+nightly
codegen_flags: <defaults>
</compile_context>

<pallas_src>
import functools

import jax
import jax.numpy as jnp
from jax import lax
from jax.experimental import pallas as pl
from jax.experimental.pallas import tpu as pltpu
from jax.experimental.pallas import tpu_sc as plsc

_NREL = 474
_B = 16384
_NW = 32
_BPW = _B // _NW
_L = 16


_mesh = plsc.VectorSubcoreMesh(core_axis_name="c", subcore_axis_name="s")


@functools.partial(
    pl.kernel,
    out_type=jax.ShapeDtypeStruct((2, _B), jnp.float32),
    mesh=_mesh,
    scratch_types=[
        pltpu.VMEM((3, _BPW), jnp.int32),
        pltpu.VMEM((_NREL,), jnp.float32),
        pltpu.VMEM((_NREL,), jnp.float32),
        pltpu.VMEM((2, _BPW), jnp.float32),
        pltpu.VMEM((_NREL,), jnp.float32),
        pltpu.SemaphoreType.DMA,
    ],
    compiler_params=pltpu.CompilerParams(needs_layout_passes=False),
)
def _prior_weight_sc(pos_hbm, cur_hbm, kra_hbm, out_hbm,
                     pos_v, cur_v, kra_v, out_v, tab_v, sem):
    wid = lax.axis_index("s") * 2 + lax.axis_index("c")
    base = wid * _BPW

    cp_pos = pltpu.async_copy(pos_hbm.at[:, pl.ds(base, _BPW)], pos_v, sem)
    cp_cur = pltpu.async_copy(cur_hbm, cur_v, sem)
    cp_kra = pltpu.async_copy(kra_hbm, kra_v, sem)
    cp_pos.wait()
    cp_cur.wait()
    cp_kra.wait()

    iota = lax.broadcasted_iota(jnp.int32, (_L,), 0)
    zeros = iota * 0
    ones = zeros + 1

    @plsc.parallel_loop(0, (_NREL + _L - 1) // _L, unroll=4)
    def build(i):
        off = jnp.minimum(i * _L, _NREL - _L)
        c = cur_v[pl.ds(off, _L)]
        k = kra_v[pl.ds(off, _L)]
        t1 = (jnp.where(c < 0.5, 0.7, 0.3)
              + jnp.where(k > 0.5, 0.7, 0.3)) * 0.5
        tab_v[pl.ds(off, _L)] = t1

    @plsc.parallel_loop(0, _BPW // _L, unroll=4)
    def body(j):
        cols = iota + j * _L
        ridx = pos_v[1, pl.ds(j * _L, _L)]
        t1 = plsc.load_gather(tab_v, [ridx])
        t0 = 1.0 - t1
        plsc.store_scatter(out_v, [zeros, cols], t0)
        plsc.store_scatter(out_v, [ones, cols], t1)

    pltpu.sync_copy(out_v, out_hbm.at[:, pl.ds(base, _BPW)])


def kernel(positive_sample, negative_sample, cur, kra):
    del negative_sample
    pos_t = positive_sample.astype(jnp.int32).T
    out_t = _prior_weight_sc(pos_t, cur, kra)
    return out_t.T[:, None, :]

# --- scband reference (transcript-rebuilt; emitter-appended) ---
"""Pipeline reference for scband-prior-weight-18751827214757 (READ-ONLY COPY).

The authoritative reference and input builder live on the scoring server;
editing this copy changes nothing except your own understanding.
"""

import jax, jax.numpy as jnp
import numpy as np

NREL = 474
CUR_THRES = 0.5
CUR_OPT = 0.7
KRA_THRES = 0.5
KRA_OPT = 0.7


def setup_inputs(seed: int = 0) -> dict:
    key = jax.random.key(seed)
    k1, k2, k3, k4 = jax.random.split(key, 4)
    positive_sample = jax.random.randint(k1, (16384, 3), 0, NREL, dtype=jnp.int64) if jax.config.read('jax_enable_x64') else jax.random.randint(k1, (16384, 3), 0, NREL, dtype=jnp.int32).astype(jnp.int32)
    negative_sample = jax.random.randint(k2, (16384, 256), 0, 14541, dtype=jnp.int32)
    # cur/kra buffers: read from relation statistics files in the original module;
    # here materialized as random per-relation scalars in [0, 1), mirrored across
    # the two direction halves as the original __init__ does.
    half = NREL // 2
    cur_half = jax.random.uniform(k3, (half,), dtype=jnp.float32)
    kra_half = jax.random.uniform(k4, (half,), dtype=jnp.float32)
    cur = jnp.concatenate([cur_half, cur_half], axis=0)
    kra = jnp.concatenate([kra_half, kra_half], axis=0)
    return {"positive_sample": positive_sample, "negative_sample": negative_sample, "cur": cur, "kra": kra}


def reference(positive_sample, negative_sample, cur, kra):
    # r_idx gather (embedding-style lookup into per-relation prior tables)
    r_idx = positive_sample[:, 1]
    cur_v = jnp.take(cur, r_idx, axis=0)
    kra_v = jnp.take(kra, r_idx, axis=0)

    mask_cur_low = cur_v < CUR_THRES
    # prior_weight[:, 1] / prior_weight[:, 0] from the cur rule
    pw1 = jnp.where(mask_cur_low, CUR_OPT, 1.0 - CUR_OPT)
    pw0 = jnp.where(mask_cur_low, 1.0 - CUR_OPT, CUR_OPT)

    mask_kra_high = kra_v > KRA_THRES
    pw1 = pw1 + jnp.where(mask_kra_high, KRA_OPT, 1.0 - KRA_OPT)
    pw0 = pw0 + jnp.where(mask_kra_high, 1.0 - KRA_OPT, KRA_OPT)

    prior_weight = jnp.stack([pw0, pw1], axis=1) / 2.0
    return prior_weight[:, None, :]  # unsqueeze(1) -> [B, 1, 2]

if __name__ == "__main__":
    import jax
    _d = setup_inputs()
    print(jax.jit(kernel)(*tuple(_d.values())))

</pallas_src>

<mosaic_0001>
#map = affine_map<(d0, d1) -> (0, 0)>
#map1 = affine_map<(d0, d1) -> (0)>
module attributes {stable_mosaic.version = 14 : i64} {
  func.func @_prior_weight_sc(%arg0: i32, %arg1: i32, %arg2: memref<3x16384xi32, #tpu.memory_space<hbm>>, %arg3: memref<474xf32, #tpu.memory_space<hbm>>, %arg4: memref<474xf32, #tpu.memory_space<hbm>>, %arg5: memref<2x16384xf32, #tpu.memory_space<hbm>>, %arg6: memref<3x512xi32, #tpu.memory_space<vmem>>, %arg7: memref<474xf32, #tpu.memory_space<vmem>>, %arg8: memref<474xf32, #tpu.memory_space<vmem>>, %arg9: memref<2x512xf32, #tpu.memory_space<vmem>>, %arg10: memref<474xf32, #tpu.memory_space<vmem>>, %arg11: memref<!tpu.dma_semaphore, #tpu.memory_space<semaphore_mem>>) attributes {dimension_semantics = [#tpu.dimension_semantics<core_parallel>, #tpu.dimension_semantics<subcore_parallel>], iteration_bounds = array<i64: 2, 16>, scalar_prefetch = 0 : i64, scratch_operands = 6 : i64, tpu.core_type = #tpu.core_type<sc_vector_subcore>, window_params = [{transform_indices = #map}, {transform_indices = #map1}, {transform_indices = #map1}, {transform_indices = #map}]} {
    %mul3A = arith.constant 2 : i32
    %mul3A_0 = arith.muli %arg1, %mul3A : i32
    %add3A = arith.addi %mul3A_0, %arg0 : i32
    %mul3A_1 = arith.constant 512 : i32
    %mul3A_2 = arith.muli %add3A, %mul3A_1 : i32
    %dma_start3A = arith.constant 0 : i32
    %dma_start3A_3 = tpu.memref_slice %arg2[%dma_start3A, %mul3A_2] : memref<3x16384xi32, #tpu.memory_space<hbm>> -> memref<3x512xi32, #tpu.memory_space<hbm>>
    %dma_start3A_4 = arith.constant 0 : i32
    %dma_start3A_5 = tpu.memref_slice %arg2[%dma_start3A_4, %mul3A_2] : memref<3x16384xi32, #tpu.memory_space<hbm>> -> memref<3x512xi32, #tpu.memory_space<hbm>>
    tpu.enqueue_dma source(%dma_start3A_5 : memref<3x512xi32, #tpu.memory_space<hbm>>) target(%arg6 : memref<3x512xi32, #tpu.memory_space<vmem>>) target_semaphore(%arg11 : memref<!tpu.dma_semaphore, #tpu.memory_space<semaphore_mem>>)
    tpu.enqueue_dma source(%arg3 : memref<474xf32, #tpu.memory_space<hbm>>) target(%arg7 : memref<474xf32, #tpu.memory_space<vmem>>) target_semaphore(%arg11 : memref<!tpu.dma_semaphore, #tpu.memory_space<semaphore_mem>>)
    tpu.enqueue_dma source(%arg4 : memref<474xf32, #tpu.memory_space<hbm>>) target(%arg8 : memref<474xf32, #tpu.memory_space<vmem>>) target_semaphore(%arg11 : memref<!tpu.dma_semaphore, #tpu.memory_space<semaphore_mem>>)
    %dma_wait3A = arith.constant 0 : i32
    %dma_wait3A_6 = tpu.memref_slice %arg2[%dma_wait3A, %mul3A_2] : memref<3x16384xi32, #tpu.memory_space<hbm>> -> memref<3x512xi32, #tpu.memory_space<hbm>>
    %dma_wait3A_7 = arith.constant 0 : i32
    %dma_wait3A_8 = tpu.memref_slice %arg2[%dma_wait3A_7, %mul3A_2] : memref<3x16384xi32, #tpu.memory_space<hbm>> -> memref<3x512xi32, #tpu.memory_space<hbm>>
    tpu.wait_dma2 semaphore(%arg11 : memref<!tpu.dma_semaphore, #tpu.memory_space<semaphore_mem>>) src(%dma_wait3A_8 : memref<3x512xi32, #tpu.memory_space<hbm>>) dst(%arg6 : memref<3x512xi32, #tpu.memory_space<vmem>>)
    tpu.wait_dma2 semaphore(%arg11 : memref<!tpu.dma_semaphore, #tpu.memory_space<semaphore_mem>>) src(%arg3 : memref<474xf32, #tpu.memory_space<hbm>>) dst(%arg7 : memref<474xf32, #tpu.memory_space<vmem>>)
    tpu.wait_dma2 semaphore(%arg11 : memref<!tpu.dma_semaphore, #tpu.memory_space<semaphore_mem>>) src(%arg4 : memref<474xf32, #tpu.memory_space<hbm>>) dst(%arg8 : memref<474xf32, #tpu.memory_space<vmem>>)
    %iota3A = tpu.iota {dimensions = array<i32: 0>} : vector<16xi32>
    %mul3A_9 = arith.constant 0 : i32
    %mul3A_10 = vector.broadcast %mul3A_9 : i32 to vector<16xi32>
    %mul3A_11 = arith.muli %iota3A, %mul3A_10 : vector<16xi32>
    %add3A_12 = arith.constant 1 : i32
    %add3A_13 = vector.broadcast %add3A_12 : i32 to vector<16xi32>
    %add3A_14 = arith.addi %mul3A_11, %add3A_13 : vector<16xi32>
    %parallel_loop3A = arith.constant 0 : i32
    %parallel_loop3A_15 = arith.constant 30 : i32
    %parallel_loop3A_16 = arith.constant 1 : i32
    scf.for %parallel_loop3A_20 = %parallel_loop3A to %parallel_loop3A_15 step %parallel_loop3A_16  : i32 {
      %parallel_loop3A_21 = arith.constant 16 : i32
      %parallel_loop3A_22 = arith.muli %parallel_loop3A_20, %parallel_loop3A_21 : i32
      %parallel_loop3A_23 = arith.constant 458 : i32
      %parallel_loop3A_24 = arith.minsi %parallel_loop3A_22, %parallel_loop3A_23 : i32
      %parallel_loop3A_25 = arith.index_cast %parallel_loop3A_24 : i32 to index
      %parallel_loop3A_26 = tpu.vector_load %arg7[%parallel_loop3A_25] {strides = array<i32>} : memref<474xf32, #tpu.memory_space<vmem>>, vector<16xf32>,
      %parallel_loop3A_27 = arith.index_cast %parallel_loop3A_24 : i32 to index
      %parallel_loop3A_28 = tpu.vector_load %arg8[%parallel_loop3A_27] {strides = array<i32>} : memref<474xf32, #tpu.memory_space<vmem>>, vector<16xf32>,
      %parallel_loop3A_29 = arith.constant 5.000000e-01 : f32
      %parallel_loop3A_30 = vector.broadcast %parallel_loop3A_29 : f32 to vector<16xf32>
      %parallel_loop3A_31 = arith.cmpf olt, %parallel_loop3A_26, %parallel_loop3A_30 : vector<16xf32>
      %parallel_loop3A_32 = arith.constant 0.699999988 : f32
      %parallel_loop3A_33 = arith.constant 3.000000e-01 : f32
      %parallel_loop3A_34 = vector.broadcast %parallel_loop3A_32 : f32 to vector<16xf32>
      %parallel_loop3A_35 = vector.broadcast %parallel_loop3A_33 : f32 to vector<16xf32>
      %parallel_loop3A_36 = arith.select %parallel_loop3A_31, %parallel_loop3A_34, %parallel_loop3A_35 : vector<16xi1>, vector<16xf32>
      %parallel_loop3A_37 = arith.constant 5.000000e-01 : f32
      %parallel_loop3A_38 = vector.broadcast %parallel_loop3A_37 : f32 to vector<16xf32>
      %parallel_loop3A_39 = arith.cmpf ogt, %parallel_loop3A_28, %parallel_loop3A_38 : vector<16xf32>
      %parallel_loop3A_40 = arith.constant 0.699999988 : f32
      %parallel_loop3A_41 = arith.constant 3.000000e-01 : f32
      %parallel_loop3A_42 = vector.broadcast %parallel_loop3A_40 : f32 to vector<16xf32>
      %parallel_loop3A_43 = vector.broadcast %parallel_loop3A_41 : f32 to vector<16xf32>
      %parallel_loop3A_44 = arith.select %parallel_loop3A_39, %parallel_loop3A_42, %parallel_loop3A_43 : vector<16xi1>, vector<16xf32>
      %parallel_loop3A_45 = arith.addf %parallel_loop3A_36, %parallel_loop3A_44 : vector<16xf32>
      %parallel_loop3A_46 = arith.constant 5.000000e-01 : f32
      %parallel_loop3A_47 = vector.broadcast %parallel_loop3A_46 : f32 to vector<16xf32>
      %parallel_loop3A_48 = arith.mulf %parallel_loop3A_45, %parallel_loop3A_47 : vector<16xf32>
      %parallel_loop3A_49 = arith.index_cast %parallel_loop3A_24 : i32 to index
      %parallel_loop3A_50 = tpu.vector_load %arg10[%parallel_loop3A_49] {strides = array<i32>} : memref<474xf32, #tpu.memory_space<vmem>>, vector<16xf32>,
      tpu.vector_store %arg10[%parallel_loop3A_49], %parallel_loop3A_48 {strides = array<i32>} : memref<474xf32, #tpu.memory_space<vmem>>, vector<16xf32>,
    } {sc.loop_unroll_factor = 4 : i64, sc.parallel_access}
    %parallel_loop3A_17 = arith.constant 0 : i32
    %parallel_loop3A_18 = arith.constant 32 : i32
    %parallel_loop3A_19 = arith.constant 1 : i32
    scf.for %parallel_loop3A_20 = %parallel_loop3A_17 to %parallel_loop3A_18 step %parallel_loop3A_19  : i32 {
      %parallel_loop3A_21 = arith.constant 16 : i32
      %parallel_loop3A_22 = arith.muli %parallel_loop3A_20, %parallel_loop3A_21 : i32
      %parallel_loop3A_23 = vector.broadcast %parallel_loop3A_22 : i32 to vector<16xi32>
      %parallel_loop3A_24 = arith.addi %iota3A, %parallel_loop3A_23 : vector<16xi32>
      %parallel_loop3A_25 = arith.constant 16 : i32
      %parallel_loop3A_26 = arith.muli %parallel_loop3A_20, %parallel_loop3A_25 : i32
      %parallel_loop3A_27 = arith.constant 1 : i32
      %parallel_loop3A_28 = arith.index_cast %parallel_loop3A_27 : i32 to index
      %parallel_loop3A_29 = arith.index_cast %parallel_loop3A_26 : i32 to index
      %parallel_loop3A_30 = tpu.vector_load %arg6[%parallel_loop3A_28, %parallel_loop3A_29] {strides = array<i32>} : memref<3x512xi32, #tpu.memory_space<vmem>>, vector<16xi32>,
      %parallel_loop3A_31 = tpu.vector_load_idx %arg10[%parallel_loop3A_30] : memref<474xf32, #tpu.memory_space<vmem>>[vector<16xi32>], vector<16xf32>,
      %parallel_loop3A_32 = arith.constant 1.000000e+00 : f32
      %parallel_loop3A_33 = vector.broadcast %parallel_loop3A_32 : f32 to vector<16xf32>
      %parallel_loop3A_34 = arith.subf %parallel_loop3A_33, %parallel_loop3A_31 : vector<16xf32>
      tpu.vector_store_idx %arg9[%mul3A_11, %parallel_loop3A_24], %parallel_loop3A_34 : memref<2x512xf32, #tpu.memory_space<vmem>>[vector<16xi32>, vector<16xi32>], vector<16xf32>,
      tpu.vector_store_idx %arg9[%add3A_14, %parallel_loop3A_24], %parallel_loop3A_31 : memref<2x512xf32, #tpu.memory_space<vmem>>[vector<16xi32>, vector<16xi32>], vector<16xf32>,
    } {sc.loop_unroll_factor = 4 : i64, sc.parallel_access}
    "tpu.region"() ({
      %run_scoped3A = tpu.sem_alloc : memref<!tpu.dma_semaphore, #tpu.memory_space<semaphore_mem>>
      %dma_start3A_20 = arith.constant 0 : i32
      %dma_start3A_21 = tpu.memref_slice %arg5[%dma_start3A_20, %mul3A_2] : memref<2x16384xf32, #tpu.memory_space<hbm>> -> memref<2x512xf32, #tpu.memory_space<hbm>>
      %dma_start3A_22 = arith.constant 0 : i32
      %dma_start3A_23 = tpu.memref_slice %arg5[%dma_start3A_22, %mul3A_2] : memref<2x16384xf32, #tpu.memory_space<hbm>> -> memref<2x512xf32, #tpu.memory_space<hbm>>
      tpu.enqueue_dma source(%arg9 : memref<2x512xf32, #tpu.memory_space<vmem>>) target(%dma_start3A_23 : memref<2x512xf32, #tpu.memory_space<hbm>>) target_semaphore(%run_scoped3A : memref<!tpu.dma_semaphore, #tpu.memory_space<semaphore_mem>>)
      %dma_wait3A_24 = arith.constant 0 : i32
      %dma_wait3A_25 = tpu.memref_slice %arg5[%dma_wait3A_24, %mul3A_2] : memref<2x16384xf32, #tpu.memory_space<hbm>> -> memref<2x512xf32, #tpu.memory_space<hbm>>
      %dma_wait3A_26 = arith.constant 0 : i32
      %dma_wait3A_27 = tpu.memref_slice %arg5[%dma_wait3A_26, %mul3A_2] : memref<2x16384xf32, #tpu.memory_space<hbm>> -> memref<2x512xf32, #tpu.memory_space<hbm>>
      tpu.wait_dma2 semaphore(%run_scoped3A : memref<!tpu.dma_semaphore, #tpu.memory_space<semaphore_mem>>) src(%arg9 : memref<2x512xf32, #tpu.memory_space<vmem>>) dst(%dma_wait3A_27 : memref<2x512xf32, #tpu.memory_space<hbm>>)
      tpu.yield
    }) : () -> ()
    return
  }
}

</mosaic_0001>

<sc_bundles>
// kernel: kernel.3.cloned.1.call-start
scs
__scs_entry_jumppad:
0x0: {  	(pc) =	sbr.rel $0x88, $3  }
0x1: {  	(tag) =	ssettag $0x0;
	lr =	simm.s32 $0x1  }
0x2: {  	[smem:$0x3F9E] =	sst lr;
	_ =	strace $0xD0000000  }
0x3: {  	_ = 	snop  }
0x4: {  	_ = 	snop  }
0x5: {  	_ = 	snop  }
0x6: {  	_ = 	snop  }
0x7: {  	_ = 	snop  }
__scs_overlays_trampoline_lowered:
0x8: {  	[smem:$0x3FAD] =	sst s0  }
0x9: {  	[smem:$0x3FAE] =	sst s1  }
0xa: {  	[smem:$0x3FAF] =	sst s2  }
0xb: {  	[smem:$0x3FB0] =	sst s3  }
0xc: {  	[smem:$0x3FB1] =	sst s4  }
0xd: {  	[smem:$0x3FB2] =	sst s5  }
0xe: {  	[smem:$0x3FB3] =	sst s6  }
0xf: {  	[smem:$0x3FB4] =	sst s7  }
0x10: {  	[smem:$0x3FB5] =	sst s8  }
0x11: {  	[smem:$0x3FB6] =	sst s9;
	s0 =	simm.s32 @!p0 $0x0  }
0x12: {  	s1 =	sld [smem:$0x3F9C];
	s0 =	simm.s32 @p0 $0x1  }
0x13: {  	[smem:$0x3FB7] =	sst s0;
	s0 =	simm.s32 @!p1 $0x0  }
0x14: {  	s2 =	sld [smem:$0x3F9B];
	s0 =	simm.s32 @p1 $0x1  }
0x15: {  	[smem:$0x3FB8] =	sst s0;
	s0 =	simm.s32 @!p2 $0x0  }
0x16: {  	s3 =	sld [smem:$0x3FDB];
	s0 =	simm.s32 @p2 $0x1  }
0x17: {  	s4 =	simm.s32 $0x1BF5;
	[smem:$0x3FBA] =	sst s0  }
0x18: {  	s0 =	sld [smem:$0x3F9D];
	_ =	swait.ge [sflag:s4], $0x0  }
0x19: {  	s7 =	sld [smem:$0x3F9E]  }
0x1a: {  	s8 =	sadd.s32 $0xFFFFE003, lr  }
0x1b: {  	s9 =	sadd.s32 $0xFFFFFEF7, lr;
	s5 =	simm.s32 $0xFFFFFFFF;
	p2 =	slt.u32 s8, $0xFFFFF086  }
0x1c: {  	p1 =	slt.u32 s9, $0xF7A;
	s5 =	simm.s32 @!p2 $0x0  }
0x1d: {  	s5 =	simm.s32 @p1 $0x1;
	p0 =	seq.s32 s7, s2  }
0x1e: {  	s7 =	smul.u32 @!p0 $0xF7A, s2;
	p2 =	seq.s32 @!p0 s5, $0x0  }
0x1f: {  	s9 =	smul.u32 $0xF7A, s1;
	s8 =	simm.s32 @!p0 $0x1BF5;
	p2 =	por !p2, p0  }
0x20: {  	[sflag:s8] =	ssyncset.s32 @!p0 $0xFFFFF086;
	s6 =	sadd.s32 @!p0 s3, s7;
	s7 =	simm.s32 @!p0 $0x108  }
0x21: {  	s3 =	sadd.s32 s3, s9;
	s6 =	sadd.s32 @!p0 $0x88, s6;
	s7 =	simm.s32 @p2 $0x1082  }
0x22: {  	[simem:s7], [sflag:s8] =	dma.local @!p0 [hbm:s6], $0xF7A  }
0x23: {  	s9 =	sor.u32 $0xD0000000, s2;
	s6 =	simm.s32 $0x108;
	_ =	swait.ge @!p0 [sflag:s8], $0x0  }
0x24: {  	s3 =	sadd.s32 $0x88, s3;
	s6 =	simm.s32 @!p1 $0x1082;
	[sflag:s4] =	ssyncset.s32 $0xFFFFF086  }
0x25: {  	[simem:s6], [sflag:s4] =	dma.local [hbm:s3], $0xF7A  }
0x26: {  	[smem:$0x3F9E] =	sst s1;
	(tag) =	ssettag s2;
	_ =	strace s9  }
0x27: {  	s1 =	sld [smem:$0x3FAE]  }
0x28: {  	s2 =	sld [smem:$0x3FAF]  }
0x29: {  	s4 =	sld [smem:$0x3FB1]  }
0x2a: {  	p0 =	seq.s32 s5, $0x0;
	s5 =	sld [smem:$0x3FB2]  }
0x2b: {  	s6 =	sld [smem:$0x3FB3]  }
0x2c: {  	s7 =	sld [smem:$0x3FB4]  }
0x2d: {  	s3 =	simm.s32 $0x108;
	s8 =	sld [smem:$0x3FB5]  }
0x2e: {  	s3 =	simm.s32 @!p0 $0x1082;
	s9 =	sld [smem:$0x3FB6]  }
0x2f: {  	lr =	sadd.s32 s0, s3;
	s0 =	sld [smem:$0x3FAD]  }
0x30: {  	s3 =	sld [smem:$0x3FB0]  }
0x31: {  	[smem:$0x3FB9] =	sst s10  }
0x32: {  	s10 =	sld [smem:$0x3FB7];
	_ =	sdelay $0x3  }
0x33: {  	p0 =	seq.s32 s10, $0x1;
	s10 =	sld [smem:$0x3FB9];
	_ =	sdelay $0x3  }
0x34: {  	[smem:$0x3FB9] =	sst s10  }
0x35: {  	s10 =	sld [smem:$0x3FB8];
	_ =	sdelay $0x3  }
0x36: {  	p1 =	seq.s32 s10, $0x1;
	s10 =	sld [smem:$0x3FB9];
	_ =	sdelay $0x3  }
0x37: {  	[smem:$0x3FB9] =	sst s10  }
0x38: {  	s10 =	sld [smem:$0x3FBA]  }
0x39: {  	_ = 	snop;
	(pc) =	sbr.ind lr, $3  }
0x3a: {  	_ = 	snop  }
0x3b: {  	_ = 	snop  }
0x3c: {  	p2 =	seq.s32 s10, $0x1;
	s10 =	sld [smem:$0x3FB9]  }
0x3d: {  	_ =	shalt  }
0x3e: {  	_ =	shalt  }
0x3f: {  	_ =	shalt  }
0x40: {  	_ =	shalt  }
0x41: {  	_ =	shalt  }
0x42: {  	_ =	shalt  }
0x43: {  	_ =	shalt  }
0x44: {  	_ =	shalt  }
0x45: {  	_ =	shalt  }
0x46: {  	_ =	shalt  }
0x47: {  	_ =	shalt  }
0x48: {  	_ =	shalt  }
0x49: {  	_ =	shalt  }
0x4a: {  	_ =	shalt  }
0x4b: {  	_ =	shalt  }
0x4c: {  	_ =	shalt  }
0x4d: {  	_ =	shalt  }
0x4e: {  	_ =	shalt  }
0x4f: {  	_ =	shalt  }
0x50: {  	_ =	shalt  }
0x51: {  	_ =	shalt  }
0x52: {  	_ =	shalt  }
0x53: {  	_ =	shalt  }
0x54: {  	_ =	shalt  }
0x55: {  	_ =	shalt  }
0x56: {  	_ =	shalt  }
0x57: {  	_ =	shalt  }
0x58: {  	_ =	shalt  }
0x59: {  	_ =	shalt  }
0x5a: {  	_ =	shalt  }
0x5b: {  	_ =	shalt  }
0x5c: {  	_ =	shalt  }
0x5d: {  	_ =	shalt  }
0x5e: {  	_ =	shalt  }
0x5f: {  	_ =	shalt  }
0x60: {  	_ =	shalt  }
0x61: {  	_ =	shalt  }
0x62: {  	_ =	shalt  }
0x63: {  	_ =	shalt  }
0x64: {  	_ =	shalt  }
0x65: {  	_ =	shalt  }
0x66: {  	_ =	shalt  }
0x67: {  	_ =	shalt  }
0x68: {  	_ =	shalt  }
0x69: {  	_ =	shalt  }
0x6a: {  	_ =	shalt  }
0x6b: {  	_ =	shalt  }
0x6c: {  	_ =	shalt  }
0x6d: {  	_ =	shalt  }
0x6e: {  	_ =	shalt  }
0x6f: {  	_ =	shalt  }
0x70: {  	_ =	shalt  }
0x71: {  	_ =	shalt  }
0x72: {  	_ =	shalt  }
0x73: {  	_ =	shalt  }
0x74: {  	_ =	shalt  }
0x75: {  	_ =	shalt  }
0x76: {  	_ =	shalt  }
0x77: {  	_ =	shalt  }
0x78: {  	_ =	shalt  }
0x79: {  	_ =	shalt  }
0x7a: {  	_ =	shalt  }
0x7b: {  	_ =	shalt  }
0x7c: {  	_ =	shalt  }
0x7d: {  	_ =	shalt  }
0x7e: {  	_ =	shalt  }
0x7f: {  	_ =	shalt  }
0x80: {  	_ =	shalt  }
0x81: {  	_ =	shalt  }
0x82: {  	_ =	shalt  }
0x83: {  	_ =	shalt  }
0x84: {  	_ =	shalt  }
0x85: {  	_ =	shalt  }
0x86: {  	_ =	shalt  }
0x87: {  	_ =	shalt  }
.Lfunc_end0:
.L_simem_size_0:
called_computation_lowered:
.L_overlay_start_0:
0x88: {  	s2 =	sld [smem:$0x3FD9]  }
0x89: {  	s3 =	sld [smem:$0x3FFE];
	_ =	sdelay $0x1  }
0x8a: {  	s1 =	srdreg.scid  }
0x8b: {  	s0 =	sand.u32 $0x1, s1  }
0x8c: {  	s18 =	sshll.u32 s0, $0xA;
	s2 =	sadd.s32 s3, s2  }
0x8d: {  	s2 =	sadd.s32 s2, s18  }
0x8e: {  	[smem:$0x3FC5] =	sst s2  }
0x8f: {  	_ = 	snop  }
0x90: {  	s2 =	sld [smem:$0x3FC9]  }
0x91: {  	s19 =	sld [smem:$0x3FC8]  }
0x92: {  	s4 =	sld [smem:$0x3FC7]  }
0x93: {  	s5 =	sld [smem:$0x3FD0];
	(tm) =	ssettm $0x1  }
0x94: {  	s6 =	sld [smem:$0x3FFB];
	_ =	sdelay $0x3  }
0x95: {  	_ =	strace s6  }
0x96: {  	s6 =	sld [smem:$0x3FFC];
	_ =	sdelay $0x3  }
0x97: {  	_ =	strace s6  }
0x98: {  	s6 =	sld [smem:$0x3FFD];
	_ =	sdelay $0x3  }
0x99: {  	_ =	strace s6  }
0x9a: {  	_ =	strace $0x8FFFFFFF  }
0x9b: {  	s20 =	sld [smem:$0x3FDB];
	_ =	sdelay $0x1  }
0x9c: {  	s7 =	simm.s32 $_scs_section_size  }
0x9d: {  	s8 =	simm.s32 $_size__tile_overlayer_lowered;
	s9 =	simm.s32 $_tile_overlayer_lowered  }
0x9e: {  	s23 =	simm.s32 $0x1BFF;
	s22 =	sshll.u32 s9, $0x1;
	s6 =	sadd.s32 s7, s20  }
0x9f: {  	s10 =	simm.s32 $0x0;
	s21 =	sshll.u32 s8, $0x1;
	s8 =	sadd.s32 s22, s6  }
0xa0: {  	[timem:s10], [sflag:s23] =	dma.local [hbm:s8], s21  }
0xa1: {  	_ =	swait.ge [sflag:s23], s21  }
0xa2: {  	s7 =	ssub.s32 $0x0, s21;
	[sflag:s23] =	ssyncset.done $0x0  }
0xa3: {  	[sflag:s23] =	ssyncadd.s32 s7;
	_ =	sdelay $0x1  }
0xa4: {  	s24 =	simm.s32 $0x1B8B  }
0xa5: {  	_ =	swait.ge [sflag:s24], $0x1  }
0xa6: {  	[sflag:s24] =	ssyncset.done $0x0  }
0xa7: {  	s25 =	simm.s32 $0x1B8E;
	[sflag:s24] =	ssyncadd.s32 $0xFFFFFFFF  }
0xa8: {  	s26 =	simm.s32 $execute0_lowered;
	[smem:$0x3FD2] =	sst s25  }
0xa9: {  	s7 =	sshll.u32 s26, $0x1;
	_ =	strace $0x80000046;
	[dreg:$0x1] =	wrdreg $0xFFFFFFFF  }
0xaa: {  	s28 =	simm.s32 $_size_execute0_lowered;
	s6 =	sadd.s32 s6, s7;
	[dreg:$0x0] =	wrdreg $0x0  }
0xab: {  	s7 =	sshll.u32 s28, $0x1;
	[dreg:$0x2] =	wrdreg s6  }
0xac: {  	[dreg:$0x3] =	wrdreg s7  }
0xad: {  	[dreg:$0x4] =	wrdreg $0xC0  }
0xae: {  	_ =	task [dreg:s10], $0x5FFFF  }
0xaf: {  	[dreg:$0x1] =	wrdreg $0xFFFFFFFF  }
0xb0: {  	[dreg:$0x0] =	wrdreg $0x60  }
0xb1: {  	[dreg:$0x2] =	wrdreg s2  }
0xb2: {  	[dreg:$0x3] =	wrdreg s19  }
0xb3: {  	[dreg:$0x4] =	wrdreg s4  }
0xb4: {  	[dreg:$0x5] =	wrdreg s5  }
0xb5: {  	[dreg:$0x6] =	wrdreg $0x9  }
0xb6: {  	_ =	task.clear_ibuf [dreg:s10], $0x7FFFF;
	_ =	strace $0x90000046  }
0xb7: {  	s29 =	simm.s32 $0x9;
	_ =	strace $0x80000048  }
0xb8: {  	_ =	swait.ge [sflag:s29], $0x1  }
0xb9: {  	[sflag:s29] =	ssyncadd.s32 $0xFFFFFFFF  }
0xba: {  	_ =	strace $0x90000048  }
0xbb: {  	_ =	sfence  }
0xbc: {  	s30 =	sld [smem:$0x0];
	_ =	sdelay $0x2  }
0xbd: {  	s31 =	sshll.u32 s1, $0xD;
	s1 =	sshrl.u32 s1, $0x2  }
0xbe: {  	s3 =	sand.u32 $0x4000, s31;
	s1 =	sadd.s32 s1, s30  }
0xbf: {  	s0 =	sor.u32 s3, s0;
	s1 =	sshll.u32 s1, $0x11  }
0xc0: {  	s0 =	sor.u32 s1, s0  }
0xc1: {  	s0 =	sadd.s32 $0x8F2B, s0  }
0xc2: {  	[sflag:s0] =	ssyncadd.remote.s32 $0x1  }
0xc3: {  	_ =	sfence.sel $0xFFFF  }
0xc4: {  	[dreg:$0x0] =	wrdreg $0xFFFFFFFF;
	(pc) =	sbr.abs _section_cstart, $3  }
0xc5: {  	[dreg:$0x1] =	wrdreg $0xFFFFFFFF  }
0xc6: {  	_ =	task.clear_ibuf [dreg:s10], $0x2FFFF;
	_ =	strace $0x9FFFFFFF  }
0xc7: {  	(tm) =	ssettm $0x7FFFFFFF  }
tec
execute0_lowered:
.L_overlay_start_1:
0x0: {  	(tag) =	ssettag $0x1  }
0x1: {  	s5 =	rddreg [dreg:$0x0]  }
0x2: {  	s1 =	rddreg [dreg:$0x1]  }
0x3: {  	s3 =	rddreg [dreg:$0x2]  }
0x4: {  	s6 =	rddreg [dreg:$0x3];
	s4 =	srdreg.scid  }
0x5: {  	s0 =	rddreg [dreg:$0x4];
	s2 =	stileid.u32;
	s11 =	simm.s32 $0x1000  }
0x6: {  	s12 =	simm.s32 $0xC00;
	s13 =	simm.s32 $0x2;
	s14 =	simm.s32 $0x0  }
0x7: {  	s7 =	sand.u32 $0x1, s4;
	s4 =	simm.s32 $0x0;
	s8 =	sshll.u32 s2, $0xA  }
0x8: {  	s9 =	sshll.u32 s7, $0x9;
	[smem:$0x7FF] =	sst s4;
	s7 =	ssub.s32 $0x2, s7  }
0x9: {  	s8 =	sor.u32 s9, s8;
	_ =	strace $0x80000047;
	s31 =	sshrl.u32 s7, $0x1  }
0xa: {  	s9 =	simm.s32 $0xA00;
	s10 =	sshrl.u32 s8, $0x1;
	s8 =	sshrl.u32 s8, $0x2  }
0xb: {  	s7 =	ssub.s32 s7, s31;
	s5 =	sadd.s32 s5, s10;
	s6 =	sadd.s32 s6, s8  }
0xc: {  	v0 =	vimm.f32 $3.000000120e-01;
	v1 =	vlaneseq.u32;
	s7 =	smax.u32 s7, $0x1;
	s8 =	simm.s32 $0x800;
	s10 =	simm.s32 $0x1  }
.LBB2_1:
0xd: {  	[tilespmem:s4], [sflag:$0x1] =	stream.linear.gather [hbm4b:s5+s4], $0x800, $0x38;
	[tilespmem:$0x1200] =	vst v63  }
0xe: {  	_ = 	snop  }
0xf: {  	[tilespmem:s8], [sflag:$0x1] =	stream.linear.gather [hbm4b:s1+s4], $0x200, $0x38;
	[tilespmem:$0x1200] =	vst v63  }
0x10: {  	_ = 	snop  }
0x11: {  	[tilespmem:s9], [sflag:$0x1] =	stream.linear.gather [hbm4b:s3+s4], $0x200, $0x38;
	[tilespmem:$0x1200] =	vst v63  }
0x12: {  	_ =	swait.ge [sflag:s10], $0x800  }
0x13: {  	[sflag:s10] =	ssyncset.done $0x0  }
0x14: {  	[sflag:s10] =	ssyncadd.s32 $0xFFFFF800  }
0x15: {  	_ =	swait.ge [sflag:s10], $0x200  }
0x16: {  	[sflag:s10] =	ssyncset.done $0x0  }
0x17: {  	[sflag:s10] =	ssyncadd.s32 $0xFFFFFE00  }
0x18: {  	_ =	swait.ge [sflag:s10], $0x200  }
0x19: {  	[sflag:s10] =	ssyncset.done $0x0  }
0x1a: {  	s15 =	simm.s32 $0x820;
	[sflag:s10] =	ssyncadd.s32 $0xFFFFFE00  }
0x1b: {  	s16 =	simm.s32 $0xA20;
	v2 =	vld [tilespmem:s15+$0x10]  }
0x1c: {  	v3 =	vld [tilespmem:s16+$0x10]  }
0x1d: {  	v4 =	vld [tilespmem:s16+$0xFFFFFFE0]  }
0x1e: {  	v5 =	vld [tilespmem:s15+$0xFFFFFFF0]  }
0x1f: {  	v6 =	vld [tilespmem:s16+$0xFFFFFFF0]  }
0x20: {  	v7 =	vld [tilespmem:s15+$0x0]  }
0x21: {  	s17 =	simm.s32 $0x860;
	v8 =	vld [tilespmem:s16+$0x0]  }
0x22: {  	v9 =	vld [tilespmem:s17+$0x10]  }
0x23: {  	s16 =	simm.s32 $0xA60;
	vm0 =	vlt.f32 v2, $5.000000000e-01;
	vm1 =	vgt.f32 v3, $5.000000000e-01;
	v2 =	vld [tilespmem:s15+$0xFFFFFFE0];
	vm2 =	vgt.f32 v4, $5.000000000e-01  }
0x24: {  	v11 =	vld [tilespmem:s16+$0x10];
	v3 =	vsel vm0, $0x3F333333, v0;
	v4 =	vsel vm1, $0x3F333333, v0;
	v10 =	vsel vm2, $0x3F333333, v0  }
0x25: {  	v12 =	vld [tilespmem:s16+$0xFFFFFFE0];
	vm0 =	vlt.f32 v5, $5.000000000e-01;
	vm1 =	vgt.f32 v6, $5.000000000e-01;
	v3 =	vadd.f32 v4, v3  }
0x26: {  	v4 =	vsel vm0, $0x3F333333, v0;
	v5 =	vsel vm1, $0x3F333333, v0;
	vm0 =	vlt.f32 v7, $5.000000000e-01  }
0x27: {  	vm1 =	vgt.f32 v8, $5.000000000e-01;
	v5 =	vadd.f32 v5, v4;
	v7 =	vmul.f32 $5.000000000e-01, v3;
	v3 =	vld [tilespmem:s17+$0xFFFFFFF0]  }
0x28: {  	v6 =	vsel vm0, $0x3F333333, v0;
	v4 =	vld [tilespmem:s16+$0xFFFFFFF0];
	vm0 =	vlt.f32 v2, $5.000000000e-01;
	v2 =	vsel vm1, $0x3F333333, v0  }
0x29: {  	s15 =	simm.s32 $0x1020;
	vm2 =	vgt.f32 v11, $5.000000000e-01;
	v13 =	vmul.f32 $5.000000000e-01, v5;
	v2 =	vadd.f32 v2, v6;
	v6 =	vld [tilespmem:s17+$0x0]  }
0x2a: {  	v5 =	vld [tilespmem:s16+$0x0];
	vm1 =	vlt.f32 v9, $5.000000000e-01;
	v8 =	vsel vm0, $0x3F333333, v0;
	[tilespmem:s15+$0x10] =	vst v7;
	vm0 =	vgt.f32 v12, $5.000000000e-01  }
0x2b: {  	s18 =	simm.s32 $0x4;
	s19 =	simm.s32 $0x8A0;
	v7 =	vld [tilespmem:s17+$0xFFFFFFE0];
	v9 =	vsel vm1, $0x3F333333, v0;
	s17 =	simm.s32 $0x1020;
	v8 =	vadd.f32 v10, v8;
	v10 =	vsel vm2, $0x3F333333, v0;
	[tilespmem:s15+$0xFFFFFFF0] =	vst v13  }
.LBB2_2:
0x2c: {  	v11 =	vld [tilespmem:s19+$0x10];
	v12 =	vsel vm0, $0x3F333333, v0;
	vm0 =	vlt.f32 v3, $5.000000000e-01;
	v3 =	vadd.f32 v10, v9;
	s16 =	sadd.s32 $0x40, s16  }
0x2d: {  	s18 =	sadd.s32 $0x4, s18;
	v9 =	vld [tilespmem:s16+$0x10];
	v10 =	vsel vm0, $0x3F333333, v0;
	vm0 =	vgt.f32 v4, $5.000000000e-01;
	v4 =	vmul.f32 $5.000000000e-01, v8  }
0x2e: {  	p0 =	slt.u32 s18, $0x18;
	v13 =	vld [tilespmem:s16+$0xFFFFFFE0];
	v8 =	vsel vm0, $0x3F333333, v0;
	vm0 =	vlt.f32 v6, $5.000000000e-01;
	v6 =	vmul.f32 $5.000000000e-01, v3  }
.Ltmp0:
0x2f: {  	s17 =	sadd.s32 $0x40, s17;
	v3 =	vld [tilespmem:s19+$0xFFFFFFF0];
	v8 =	vadd.f32 v8, v10;
	v10 =	vsel vm0, $0x3F333333, v0;
	vm0 =	vgt.f32 v5, $5.000000000e-01;
	[tilespmem:s15+$0xFFFFFFE0] =	vst v4;
	(pc) =	sbr.rel @p0 .LBB2_2-.Ltmp0, $4  }
0x30: {  	v4 =	vld [tilespmem:s16+$0xFFFFFFF0];
	vm1 =	vlt.f32 v7, $5.000000000e-01;
	v5 =	vsel vm0, $0x3F333333, v0;
	[tilespmem:s17+$0x10] =	vst v6;
	v7 =	vmul.f32 $5.000000000e-01, v2  }
0x31: {  	v6 =	vld [tilespmem:s19+$0x0];
	v14 =	vsel vm1, $0x3F333333, v0;
	v15 =	vmul.f32 $5.000000000e-01, v8;
	v2 =	vadd.f32 v5, v10  }
0x32: {  	vm1 =	vlt.f32 v11, $5.000000000e-01;
	v5 =	vld [tilespmem:s16+$0x0];
	vm2 =	vgt.f32 v9, $5.000000000e-01;
	v8 =	vadd.f32 v12, v14;
	[tilespmem:s15+$0x0] =	vst v7;
	s15 =	smov.u32 s17  }
0x33: {  	v9 =	vsel vm1, $0x3F333333, v0;
	v7 =	vld [tilespmem:s19+$0xFFFFFFE0];
	vm0 =	vgt.f32 v13, $5.000000000e-01;
	v10 =	vsel vm2, $0x3F333333, v0;
	s19 =	sadd.s32 $0x40, s19;
	[tilespmem:s17+$0xFFFFFFF0] =	vst v15  }
0x34: {  	v11 =	vsel vm0, $0x3F333333, v0;
	vm12 =	vlt.f32 v3, $5.000000000e-01  }
0x35: {  	v3 =	vadd.f32 v10, v9;
	v58 =	vmul.f32 $5.000000000e-01, v8;
	vm13 =	vgt.f32 v4, $5.000000000e-01  }
0x36: {  	v57 =	vsel vm12, $0x3F333333, v0;
	v59 =	vsel vm13, $0x3F333333, v0;
	vm14 =	vlt.f32 v6, $5.000000000e-01  }
0x37: {  	v3 =	vmul.f32 $5.000000000e-01, v3;
	v60 =	vadd.f32 v59, v57;
	vm15 =	vgt.f32 v5, $5.000000000e-01  }
0x38: {  	s16 =	sadd.s32 $0x40, s17;
	v61 =	vsel vm14, $0x3F333333, v0;
	vm1 =	vlt.f32 v7, $5.000000000e-01;
	v63 =	vsel vm15, $0x3F333333, v0  }
0x39: {  	[tilespmem:s16+$0x10] =	vst v3;
	v62 =	vsel vm1, $0x3F333333, v0;
	v3 =	vmul.f32 $5.000000000e-01, v60;
	v4 =	vadd.f32 v63, v61  }
0x3a: {  	v2 =	vmul.f32 $5.000000000e-01, v2;
	[tilespmem:s15+$0xFFFFFFE0] =	vst v58;
	v5 =	vadd.f32 v11, v62  }
0x3b: {  	[tilespmem:s16+$0xFFFFFFF0] =	vst v3;
	v3 =	vmul.f32 $5.000000000e-01, v4  }
0x3c: {  	[tilespmem:s15+$0x0] =	vst v2;
	v2 =	vmul.f32 $5.000000000e-01, v5  }
0x3d: {  	[tilespmem:s16+$0x0] =	vst v3  }
0x3e: {  	s15 =	simm.s32 $0x1C0;
	[tilespmem:s16+$0xFFFFFFE0] =	vst v2  }
.LBB2_4:
0x3f: {  	s16 =	smin.u32 s15, $0x1CA  }
0x40: {  	v2 =	vld [tilespmem:s16+$0x800]  }
0x41: {  	v3 =	vld [tilespmem:s16+$0xA00];
	_ =	sdelay $0x4  }
0x42: {  	vm0 =	vlt.f32 v2, $5.000000000e-01;
	vm1 =	vgt.f32 v3, $5.000000000e-01  }
0x43: {  	p0 =	sne.s32 s15, $0x1D0;
	v2 =	vsel vm0, $0x3F333333, v0;
	v3 =	vsel vm1, $0x3F333333, v0  }
.Ltmp1:
0x44: {  	v2 =	vadd.f32 v3, v2;
	(pc) =	sbr.rel @p0 .LBB2_4-.Ltmp1, $3  }
0x45: {  	_ = 	snop  }
0x46: {  	v2 =	vmul.f32 $5.000000000e-01, v2;
	_ =	sdelay $0x1  }
0x47: {  	s15 =	sadd.s32 $0x10, s15;
	[tilespmem:s16+$0x1000] =	vst v2  }
0x48: {  	s15 =	simm.s32 $0x0;
	s16 =	simm.s32 $0x30;
	s17 =	simm.s32 $0x10  }
0x49: {  	s18 =	simm.s32 $0x20;
	s20 =	simm.s32 $0x0;
	s31 =	simm.s32 $0x60;
	v2 =	vmov s16;
	v3 =	vor.u32 s16, v1;
	v4 =	vmov s17  }
0x4a: {  	s23 =	simm.s32 $0x40;
	s15 =	sand.u32 $0x600, s15;
	s19 =	sand.u32 $0x60, s18;
	v5 =	vmov s20;
	v6 =	vor.u32 s20, v1;
	v8 =	vor.u32 s17, v1  }
0x4b: {  	s21 =	sand.u32 $0x40, s20;
	v16 =	vor.u32 s18, v1;
	v18 =	vor.u32 s23, v1;
	v31 =	vor.u32 s31, v1;
	s19 =	sor.u32 s19, s15  }
0x4c: {  	s26 =	sand.u32 $0x50, s17;
	v4 =	vshll.u32 v4, $0x1;
	s25 =	sor.u32 s21, s15;
	v2 =	vshll.u32 v2, $0x1;
	v6 =	vand.u32 $0x4F, v6;
	v7 =	vld [tilespmem:s19+$0x80]  }
0x4d: {  	s28 =	sor.u32 s26, s15;
	v5 =	vshll.u32 v5, $0x1;
	v8 =	vand.u32 $0x5F, v8;
	v3 =	vand.u32 $0x7F, v3;
	s26 =	simm.s32 $0xB0;
	v9 =	vld [tilespmem:s25+$0x80]  }
0x4e: {  	v4 =	vand.u32 $0x300, v4;
	v2 =	vand.u32 $0x300, v2;
	v28 =	vmov s26  }
0x4f: {  	s30 =	simm.s32 $0x50;
	v29 =	vor.u32 s26, v1;
	v11 =	vor.u32 v8, v4;
	v4 =	vand.u32 $0x300, v5  }
0x50: {  	s29 =	simm.s32 $0x70;
	s16 =	sand.u32 $0x70, s16;
	s20 =	simm.s32 $0x100;
	v10 =	vld [tilespmem:s28+$0x80];
	v5 =	vor.u32 v6, v5;
	v2 =	vor.u32 v3, v2;
	v8 =	vmov s30  }
0x51: {  	s22 =	sand.u32 $0x60, s31;
	s15 =	sor.u32 s16, s15;
	s21 =	sand.u32 $0x600, s20;
	v12 =	vor.u32 v6, v4;
	v13 =	vor.u32 $0x80, v11;
	v14 =	vor.u32 $0x80, v5  }
0x52: {  	v15 =	vld [tilespmem:s15+$0x80];
	s19 =	sor.u32 s22, s21;
	v3 =	vor.u32 $0x80, v2;
	v4 =	vmov s29;
	v6 =	vmov s18  }
0x53: {  	v19 =	vld [tilespmem:s19+$0x80];
	v5 =	vor.u32 s29, v1;
	v6 =	vshll.u32 v6, $0x1;
	v4 =	vshll.u32 v4, $0x1  }
0x54: {  	s20 =	sand.u32 $0x40, s23;
	v5 =	vand.u32 $0x7F, v5;
	v6 =	vand.u32 $0x300, v6;
	v4 =	vand.u32 $0x300, v4;
	v17 =	vld.idx.msk [tilespmem:v7+s11+$0x0], $0xffff  }
0x55: {  	s16 =	sand.u32 $0x50, s30;
	s24 =	sor.u32 s20, s21;
	v7 =	vshll.u32 v8, $0x1;
	v8 =	vand.u32 $0x6F, v16;
	v16 =	vld.idx.msk [tilespmem:v9+s11+$0x0], $0xffff;
	v9 =	vmov s23  }
0x56: {  	s16 =	sor.u32 s16, s21;
	v20 =	vor.u32 v8, v6;
	v6 =	vor.u32 s30, v1;
	v8 =	vand.u32 $0x4F, v18;
	v18 =	vld [tilespmem:s24+$0x80]  }
0x57: {  	v23 =	vld [tilespmem:s16+$0x80];
	v9 =	vshll.u32 v9, $0x1;
	v7 =	vand.u32 $0x300, v7;
	v6 =	vand.u32 $0x5F, v6  }
0x58: {  	s25 =	sand.u32 $0x70, s29;
	v21 =	vld.idx.msk [tilespmem:v10+s11+$0x0], $0xffff;
	v10 =	vor.u32 $0x80, v20;
	v6 =	vor.u32 v6, v7;
	v7 =	vand.u32 $0x300, v9  }
0x59: {  	s16 =	sor.u32 s25, s21;
	v9 =	vor.u32 v8, v9;
	v25 =	vor.u32 v8, v7;
	v22 =	vsub.f32 $1.000000000e+00, v17  }
0x5a: {  	s28 =	simm.s32 $0x90;
	s15 =	simm.s32 $0x200;
	v27 =	vld [tilespmem:s16+$0x80];
	s16 =	simm.s32 $0xA0;
	v8 =	vor.u32 $0x80, v9;
	v9 =	vmov s31;
	v24 =	vsub.f32 $1.000000000e+00, v16  }
0x5b: {  	v4 =	vor.u32 v5, v4;
	v30 =	vld.idx.msk [tilespmem:v19+s11+$0x0], $0xffff;
	v19 =	vmov s28;
	s30 =	sand.u32 $0x600, s15;
	s31 =	sand.u32 $0x60, s16;
	v32 =	vshll.u32 v9, $0x1;
	[tilespmem:v20+s12+$0x0] =	vst.idx.msk $0xffff, v22  }
0x5c: {  	v9 =	vld.idx.msk [tilespmem:v15+s11+$0x0], $0xffff;
	v15 =	vshll.u32 v19, $0x1;
	v19 =	vand.u32 $0x6F, v31;
	s21 =	sor.u32 s31, s30;
	v20 =	vand.u32 $0x300, v32;
	[tilespmem:v12+s12+$0x0] =	vst.idx.msk $0xffff, v24  }
0x5d: {  	s29 =	simm.s32 $0x80;
	v5 =	vor.u32 $0x80, v4;
	v26 =	vsub.f32 $1.000000000e+00, v21;
	v19 =	vor.u32 v19, v20;
	[tilespmem:v14+s12+$0x0] =	vst.idx.msk $0xffff, v16;
	v16 =	vld [tilespmem:s21+$0x80]  }
0x5e: {  	s19 =	sand.u32 $0x40, s29;
	v7 =	vor.u32 $0x80, v6;
	v22 =	vshll.u32 v28, $0x1;
	[tilespmem:v10+s12+$0x0] =	vst.idx.msk $0xffff, v17;
	v17 =	vmov s29;
	v10 =	vld.idx.msk [tilespmem:v18+s11+$0x0], $0xffff  }
0x5f: {  	s18 =	sand.u32 $0x50, s28;
	s19 =	sor.u32 s19, s30;
	v12 =	vld.idx.msk [tilespmem:v23+s11+$0x0], $0xffff;
	[tilespmem:v11+s12+$0x0] =	vst.idx.msk $0xffff, v26;
	v20 =	vor.u32 s28, v1;
	v26 =	vand.u32 $0x300, v22;
	v24 =	vor.u32 $0x80, v19  }
0x60: {  	s17 =	sand.u32 $0x70, s26;
	s18 =	sor.u32 s18, s30;
	v22 =	vsub.f32 $1.000000000e+00, v30;
	v18 =	vor.u32 s29, v1;
	v23 =	vshll.u32 v17, $0x1;
	v17 =	vld [tilespmem:s19+$0x80]  }
0x61: {  	s17 =	sor.u32 s17, s30;
	v15 =	vand.u32 $0x300, v15;
	[tilespmem:v13+s12+$0x0] =	vst.idx.msk $0xffff, v21;
	v13 =	vld [tilespmem:s18+$0x80];
	v11 =	vand.u32 $0x5F, v20;
	v14 =	vand.u32 $0x4F, v18  }
0x62: {  	v20 =	vor.u32 v11, v15;
	v15 =	vand.u32 $0x7F, v29;
	v18 =	vsub.f32 $1.000000000e+00, v9;
	[tilespmem:v19+s12+$0x0] =	vst.idx.msk $0xffff, v22;
	v22 =	vld [tilespmem:s17+$0x80]  }
0x63: {  	v11 =	vand.u32 $0x300, v23;
	v23 =	vor.u32 v14, v23;
	v63 =	vsub.f32 $1.000000000e+00, v10  }
0x64: {  	v11 =	vor.u32 v14, v11;
	v21 =	vor.u32 $0x80, v20;
	v19 =	vor.u32 v15, v26;
	[tilespmem:v24+s12+$0x0] =	vst.idx.msk $0xffff, v30  }
0x65: {  	s18 =	simm.s32 $0xF0;
	v14 =	vld.idx.msk [tilespmem:v27+s11+$0x0], $0xffff;
	v23 =	vor.u32 $0x80, v23;
	s17 =	simm.s32 $0x8;
	v15 =	vor.u32 $0x80, v19;
	v24 =	vsub.f32 $1.000000000e+00, v12;
	[tilespmem:v25+s12+$0x0] =	vst.idx.msk $0xffff, v63  }
.LBB2_6:
0x66: {  	s19 =	sadd.s32 $0xFFFFFFE0, s18;
	s20 =	sadd.s32 $0xFFFFFFF0, s18;
	v25 =	vmov s18;
	v26 =	vor.u32 s18, v1;
	v27 =	vmov s16;
	v28 =	vld.idx.msk [tilespmem:v16+s11+$0x0], $0xffff;
	s15 =	sadd.s32 $0x100, s15;
	[tilespmem:v8+s12+$0x0] =	vst.idx.msk $0xffff, v10;
	v8 =	vmovc v23  }
0x67: {  	s17 =	sadd.s32 $0x4, s17;
	v16 =	vor.u32 s16, v1;
	s21 =	sand.u32 $0x600, s15;
	v10 =	vmov s19;
	s22 =	sand.u32 $0x60, s20;
	v23 =	vshll.u32 v27, $0x1;
	[tilespmem:v6+s12+$0x0] =	vst.idx.msk $0xffff, v24;
	v6 =	vmovc v20;
	v24 =	vmovc v22  }
0x68: {  	s16 =	sadd.s32 $0xFFFFFFD0, s18;
	p0 =	slt.u32 s17, $0x1C;
	v20 =	vshll.u32 v10, $0x1;
	s22 =	sor.u32 s22, s21;
	v10 =	vld.idx.msk [tilespmem:v17+s11+$0x0], $0xffff;
	v17 =	vand.u32 $0x6F, v16;
	v22 =	vand.u32 $0x300, v23;
	[tilespmem:v7+s12+$0x0] =	vst.idx.msk $0xffff, v12;
	v7 =	vmovc v21  }
0x69: {  	s23 =	sand.u32 $0x50, s19;
	v21 =	vmov s16;
	v23 =	vor.u32 s16, v1;
	s16 =	sand.u32 $0x40, s16;
	v16 =	vld [tilespmem:s22+$0x80];
	s22 =	sand.u32 $0x70, s18;
	v27 =	vor.u32 v17, v22;
	[tilespmem:v2+s12+$0x0] =	vst.idx.msk $0xffff, v18;
	v2 =	vmovc v4;
	v4 =	vmovc v19  }
0x6a: {  	s16 =	sor.u32 s16, s21;
	v18 =	vor.u32 s19, v1;
	s19 =	sor.u32 s23, s21;
	v19 =	vshll.u32 v25, $0x1;
	s21 =	sor.u32 s22, s21;
	v12 =	vld.idx.msk [tilespmem:v13+s11+$0x0], $0xffff;
	v25 =	vor.u32 $0x80, v27;
	[tilespmem:v3+s12+$0x0] =	vst.idx.msk $0xffff, v9;
	v9 =	vmovc v14  }
0x6b: {  	v23 =	vand.u32 $0x4F, v23;
	v20 =	vand.u32 $0x300, v20;
	v14 =	vshll.u32 v21, $0x1;
	v3 =	vmovc v5;
	v5 =	vmovc v15;
	v17 =	vld [tilespmem:s16+$0x80];
	s16 =	smov.u32 s20  }
.Ltmp2:
0x6c: {  	v15 =	vand.u32 $0x5F, v18;
	v19 =	vand.u32 $0x300, v19;
	v21 =	vsub.f32 $1.000000000e+00, v28;
	v13 =	vld [tilespmem:s19+$0x80];
	(pc) =	sbr.rel @p0 .LBB2_6-.Ltmp2, $4  }
0x6d: {  	v20 =	vor.u32 v15, v20;
	v15 =	vand.u32 $0x7F, v26;
	v18 =	vsub.f32 $1.000000000e+00, v9;
	v22 =	vld [tilespmem:s21+$0x80]  }
0x6e: {  	v26 =	vand.u32 $0x300, v14;
	v29 =	vor.u32 v23, v14;
	v30 =	vsub.f32 $1.000000000e+00, v10;
	[tilespmem:v27+s12+$0x0] =	vst.idx.msk $0xffff, v21;
	v14 =	vld.idx.msk [tilespmem:v24+s11+$0x0], $0xffff  }
0x6f: {  	v26 =	vor.u32 v23, v26;
	v19 =	vor.u32 v15, v19;
	v21 =	vor.u32 $0x80, v20;
	[tilespmem:v25+s12+$0x0] =	vst.idx.msk $0xffff, v28  }
0x70: {  	s18 =	sadd.s32 $0x40, s18;
	v23 =	vor.u32 $0x80, v29;
	v15 =	vor.u32 $0x80, v19;
	v24 =	vsub.f32 $1.000000000e+00, v12;
	[tilespmem:v11+s12+$0x0] =	vst.idx.msk $0xffff, v30;
	v11 =	vmovc v26  }
0x71: {  	_ =	sdelay $0x2  }
0x72: {  	v25 =	vmov s16  }
0x73: {  	v16 =	vld.idx.msk [tilespmem:v16+s11+$0x0], $0xffff;
	v26 =	vor.u32 s16, v1;
	v25 =	vshll.u32 v25, $0x1  }
0x74: {  	[tilespmem:v8+s12+$0x0] =	vst.idx.msk $0xffff, v10;
	v26 =	vand.u32 $0x6F, v26;
	v25 =	vand.u32 $0x300, v25  }
0x75: {  	v59 =	vld.idx.msk [tilespmem:v17+s11+$0x0], $0xffff;
	[tilespmem:v2+s12+$0x0] =	vst.idx.msk $0xffff, v18;
	v60 =	vor.u32 v26, v25  }
0x76: {  	[tilespmem:v6+s12+$0x0] =	vst.idx.msk $0xffff, v24  }
0x77: {  	[tilespmem:v3+s12+$0x0] =	vst.idx.msk $0xffff, v9;
	v63 =	vsub.f32 $1.000000000e+00, v14  }
0x78: {  	v62 =	vld.idx.msk [tilespmem:v13+s11+$0x0], $0xffff;
	[tilespmem:v7+s12+$0x0] =	vst.idx.msk $0xffff, v12;
	v2 =	vsub.f32 $1.000000000e+00, v16  }
0x79: {  	v61 =	vor.u32 $0x80, v60;
	[tilespmem:v4+s12+$0x0] =	vst.idx.msk $0xffff, v63  }
0x7a: {  	v3 =	vsub.f32 $1.000000000e+00, v59;
	[tilespmem:v60+s12+$0x0] =	vst.idx.msk $0xffff, v2;
	v2 =	vld.idx.msk [tilespmem:v22+s11+$0x0], $0xffff  }
0x7b: {  	[tilespmem:v5+s12+$0x0] =	vst.idx.msk $0xffff, v14  }
0x7c: {  	[tilespmem:v11+s12+$0x0] =	vst.idx.msk $0xffff, v3  }
0x7d: {  	v3 =	vsub.f32 $1.000000000e+00, v62;
	[tilespmem:v23+s12+$0x0] =	vst.idx.msk $0xffff, v59  }
0x7e: {  	[tilespmem:v61+s12+$0x0] =	vst.idx.msk $0xffff, v16  }
0x7f: {  	[tilespmem:v20+s12+$0x0] =	vst.idx.msk $0xffff, v3;
	v3 =	vsub.f32 $1.000000000e+00, v2  }
0x80: {  	s14 =	sadd.s32 $0x1, s14;
	[tilespmem:v21+s12+$0x0] =	vst.idx.msk $0xffff, v62  }
0x81: {  	p0 =	sne.s32 s14, s7;
	[tilespmem:v19+s12+$0x0] =	vst.idx.msk $0xffff, v3  }
.Ltmp3:
0x82: {  	[tilespmem:v15+s12+$0x0] =	vst.idx.msk $0xffff, v2;
	(pc) =	sbr.rel @p0 .LBB2_1-.Ltmp3, $4  }
0x83: {  	[hbm4b:s6+s4] =	stream.linear.scatter [tilespmem:s12], [sflag:$0x2], $0x400, $0x38;
	[tilespmem:$0x1200] =	vst v63  }
0x84: {  	_ =	swait.ge [sflag:s13], $0x400  }
0x85: {  	[sflag:s13] =	ssyncset.done $0x0  }
0x86: {  	[sflag:s13] =	ssyncadd.s32 $0xFFFFFC00  }
0x87: {  	_ =	sfence.sel $0x180000  }
0x88: {  	[bflag:$0x0] =	sbarrier.arrive $0xFFFF  }
0x89: {  	p0 =	sne.s32 s2, $0x0;
	_ =	strace $0x90000047  }
0x8a: {  	s0 =	sadd.s32 @!p0 $0x100000, s0;
	[bflag:$0x2] =	sbarrier.arrive $0xFFFF  }
0x8b: {  	[sflag:s0] =	ssyncadd.tile.s32 @!p0 $0x1;
	_ =	shalt  }
.Lfunc_end2:
_tile_overlayer_lowered:
.L_overlay_start_2:
0x8c: {  	(tag) =	ssettag $0x2  }
0x8d: {  	s0 =	rddreg [dreg:$0x0];
	s2 =	stileid.u32  }
0x8e: {  	s1 =	rddreg [dreg:$0x1];
	p0 =	sne.s32 s2, $0x0  }
0x8f: {  	s3 =	rddreg [dreg:$0x2];
	[bflag:$0x3] =	sbarrier.arrive $0xFFFF;
	s2 =	simm.s32 @!p0 $0x1C02  }
0x90: {  	[timem:s3], [sflag:s2] =	dma.local @!p0 [hbm:s0], s1  }
0x91: {  	s0 =	simm.s32 @!p0 $0x2  }
0x92: {  	_ =	swait.ge @!p0 [sflag:s0], s1  }
0x93: {  	s1 =	ssub.s32 @!p0 $0x0, s1;
	[sflag:s0] =	ssyncset.done @!p0 $0x0  }
0x94: {  	[sflag:s0] =	ssyncadd.s32 @!p0 s1  }
0x95: {  	[bflag:$0x3] =	sbarrier.arrive $0xFFFF  }
0x96: {  	_ =	shalt  }

</sc_bundles>
